<compile_context>
chip_gen: v7x
topology: tpu7x:2x2x1
jax: 0.10.2.dev20260603
libtpu: 0.0.44.dev20260713+nightly
codegen_flags: <defaults>
</compile_context>

<pallas_src>
import functools

import jax
import jax.numpy as jnp
from jax import lax
from jax.experimental import pallas as pl
from jax.experimental.pallas import tpu as pltpu
from jax.experimental.pallas import tpu_sc as plsc

NUM_OUTPUTS = 1000
ROWS = 4096
COLS = 26
FLAT = ROWS * COLS

NW = 32
ROWS_PW = ROWS // NW
IDX_PW = ROWS_PW * COLS
GROUP_OFF = [0, COLS - 16]
NGROUP = len(GROUP_OFF)
NBUF = 2

_mesh = plsc.VectorSubcoreMesh(core_axis_name="c", subcore_axis_name="s")


@functools.partial(
    pl.kernel,
    mesh=_mesh,
    out_type=jax.ShapeDtypeStruct((ROWS, COLS, NUM_OUTPUTS), jnp.int32),
    scratch_types=[
        pltpu.VMEM((IDX_PW,), jnp.int32),
        pltpu.VMEM((1, COLS, NUM_OUTPUTS), jnp.int32),
        pltpu.VMEM((1, COLS, NUM_OUTPUTS), jnp.int32),
        pltpu.VMEM((NBUF * NGROUP * 16,), jnp.int32),
        pltpu.SemaphoreType.DMA,
        pltpu.SemaphoreType.DMA,
    ],
    compiler_params=pltpu.CompilerParams(
        needs_layout_passes=False, use_tc_tiling_on_sc=True
    ),
)
def _sc_onehot(idx_hbm, out_hbm, idx_v, buf0, buf1, kv_save, sem0, sem1):
    wid = lax.axis_index("s") * 2 + lax.axis_index("c")
    row0 = wid * ROWS_PW

    bufs = (buf0, buf1)
    sems = (sem0, sem1)
    zeros16 = jnp.zeros((16,), jnp.int32)
    ones16 = zeros16 + 1
    lane = lax.iota(jnp.int32, 16)
    rv16 = lane * 0
    cv_g = [jnp.minimum(lane + off, COLS - 1) for off in GROUP_OFF]

    pltpu.sync_copy(idx_hbm.at[pl.ds(wid * IDX_PW, IDX_PW)], idx_v)

    def _zero_col(p, carry):
        def _zero_k(j, c):
            for b in range(NBUF):
                bufs[b][0, p, pl.ds(j * 16, 16)] = zeros16
            return c

        lax.fori_loop(0, NUM_OUTPUTS // 16, _zero_k, 0)
        for b in range(NBUF):
            bufs[b][0, p, pl.ds(NUM_OUTPUTS - 16, 16)] = zeros16
        return carry

    lax.fori_loop(0, COLS, _zero_col, 0)

    for g in range(NBUF * NGROUP):
        kv_save[pl.ds(g * 16, 16)] = zeros16

    def _row(t, b):
        for g in range(NGROUP):
            old = kv_save[pl.ds((b * NGROUP + g) * 16, 16)]
            plsc.store_scatter(bufs[b], [rv16, cv_g[g], old], zeros16)
        for g in range(NGROUP):
            kv = idx_v[pl.ds(t * COLS + GROUP_OFF[g], 16)]
            plsc.store_scatter(bufs[b], [rv16, cv_g[g], kv], ones16)
            kv_save[pl.ds((b * NGROUP + g) * 16, 16)] = kv
        pltpu.async_copy(bufs[b], out_hbm.at[pl.ds(row0 + t, 1)], sems[b])

    for b in range(NBUF):
        _row(b, b)

    def _steady(o, carry):
        for b in range(NBUF):
            t = o * NBUF + b
            pltpu.make_async_copy(
                bufs[b], out_hbm.at[pl.ds(row0 + t, 1)], sems[b]
            ).wait()
            _row(t, b)
        return carry

    lax.fori_loop(1, ROWS_PW // NBUF, _steady, 0)

    for b in range(NBUF):
        pltpu.make_async_copy(
            bufs[b], out_hbm.at[pl.ds(row0 + b, 1)], sems[b]
        ).wait()


def kernel(inputs):
    return _sc_onehot(inputs.reshape(FLAT))

# --- scband reference (transcript-rebuilt; emitter-appended) ---
"""Pipeline reference for scband-one-hot-encoder-31645319037391 (READ-ONLY COPY).

The authoritative reference and input builder live on the scoring server;
editing this copy changes nothing except your own understanding.
"""

import jax, jax.numpy as jnp
import numpy as np

NUM_OUTPUTS = 1000


def setup_inputs(seed: int = 0) -> dict:
    key = jax.random.key(seed)
    inputs = jax.random.randint(key, (4096, 26), 0, NUM_OUTPUTS, dtype=jnp.int32)
    return {"inputs": inputs}


def reference(inputs):
    # Faithful to tf.cast(tf.one_hot(inputs, num_outputs, axis=-1), tf.int32)
    # one_hot is a scatter/gather-style op: each index selects one position
    # in a depth-NUM_OUTPUTS vector set to 1, rest 0.
    oh = jax.nn.one_hot(inputs, NUM_OUTPUTS, axis=-1, dtype=jnp.float32)
    return oh.astype(jnp.int32)

if __name__ == "__main__":
    import jax
    _d = setup_inputs()
    print(jax.jit(kernel)(*tuple(_d.values())))

</pallas_src>

<mosaic_0001>
#map = affine_map<(d0, d1) -> (0)>
#map1 = affine_map<(d0, d1) -> (0, 0, 0)>
module attributes {stable_mosaic.version = 14 : i64} {
  func.func @_sc_onehot(%arg0: i32, %arg1: i32, %arg2: memref<106496xi32, #tpu.memory_space<hbm>>, %arg3: memref<4096x26x1000xi32, #tpu.memory_space<hbm>>, %arg4: memref<3328xi32, #tpu.memory_space<vmem>>, %arg5: memref<1x26x1000xi32, #tpu.memory_space<vmem>>, %arg6: memref<1x26x1000xi32, #tpu.memory_space<vmem>>, %arg7: memref<64xi32, #tpu.memory_space<vmem>>, %arg8: memref<!tpu.dma_semaphore, #tpu.memory_space<semaphore_mem>>, %arg9: memref<!tpu.dma_semaphore, #tpu.memory_space<semaphore_mem>>) attributes {dimension_semantics = [#tpu.dimension_semantics<core_parallel>, #tpu.dimension_semantics<subcore_parallel>], iteration_bounds = array<i64: 2, 16>, scalar_prefetch = 0 : i64, scratch_operands = 6 : i64, tpu.core_type = #tpu.core_type<sc_vector_subcore>, window_params = [{transform_indices = #map}, {transform_indices = #map1}]} {
    %mul3A = arith.constant 2 : i32
    %mul3A_0 = arith.muli %arg1, %mul3A : i32
    %add3A = arith.addi %mul3A_0, %arg0 : i32
    %mul3A_1 = arith.constant 128 : i32
    %mul3A_2 = arith.muli %add3A, %mul3A_1 : i32
    %broadcast_in_dim3A = arith.constant 0 : i32
    %broadcast_in_dim3A_3 = vector.broadcast %broadcast_in_dim3A : i32 to vector<16xi32>
    %add3A_4 = arith.constant 1 : i32
    %add3A_5 = vector.broadcast %add3A_4 : i32 to vector<16xi32>
    %add3A_6 = arith.addi %broadcast_in_dim3A_3, %add3A_5 : vector<16xi32>
    %iota3A = tpu.iota {dimensions = array<i32: 0>} : vector<16xi32>
    %mul3A_7 = arith.constant 0 : i32
    %mul3A_8 = vector.broadcast %mul3A_7 : i32 to vector<16xi32>
    %mul3A_9 = arith.muli %iota3A, %mul3A_8 : vector<16xi32>
    %add3A_10 = arith.constant 0 : i32
    %add3A_11 = vector.broadcast %add3A_10 : i32 to vector<16xi32>
    %add3A_12 = arith.addi %iota3A, %add3A_11 : vector<16xi32>
    %min3A = arith.constant 25 : i32
    %min3A_13 = vector.broadcast %min3A : i32 to vector<16xi32>
    %min3A_14 = arith.minsi %add3A_12, %min3A_13 : vector<16xi32>
    %add3A_15 = arith.constant 10 : i32
    %add3A_16 = vector.broadcast %add3A_15 : i32 to vector<16xi32>
    %add3A_17 = arith.addi %iota3A, %add3A_16 : vector<16xi32>
    %min3A_18 = arith.constant 25 : i32
    %min3A_19 = vector.broadcast %min3A_18 : i32 to vector<16xi32>
    %min3A_20 = arith.minsi %add3A_17, %min3A_19 : vector<16xi32>
    %mul3A_21 = arith.constant 3328 : i32
    %mul3A_22 = arith.muli %add3A, %mul3A_21 : i32
    "tpu.region"() ({
      %run_scoped3A = tpu.sem_alloc : memref<!tpu.dma_semaphore, #tpu.memory_space<semaphore_mem>>
      %dma_start3A_94 = tpu.memref_slice %arg2[%mul3A_22] : memref<106496xi32, #tpu.memory_space<hbm>> -> memref<3328xi32, #tpu.memory_space<hbm>>
      %dma_start3A_95 = tpu.memref_slice %arg2[%mul3A_22] : memref<106496xi32, #tpu.memory_space<hbm>> -> memref<3328xi32, #tpu.memory_space<hbm>>
      tpu.enqueue_dma source(%dma_start3A_95 : memref<3328xi32, #tpu.memory_space<hbm>>) target(%arg4 : memref<3328xi32, #tpu.memory_space<vmem>>) target_semaphore(%run_scoped3A : memref<!tpu.dma_semaphore, #tpu.memory_space<semaphore_mem>>)
      %dma_wait3A_96 = tpu.memref_slice %arg2[%mul3A_22] : memref<106496xi32, #tpu.memory_space<hbm>> -> memref<3328xi32, #tpu.memory_space<hbm>>
      %dma_wait3A_97 = tpu.memref_slice %arg2[%mul3A_22] : memref<106496xi32, #tpu.memory_space<hbm>> -> memref<3328xi32, #tpu.memory_space<hbm>>
      tpu.wait_dma2 semaphore(%run_scoped3A : memref<!tpu.dma_semaphore, #tpu.memory_space<semaphore_mem>>) src(%dma_wait3A_97 : memref<3328xi32, #tpu.memory_space<hbm>>) dst(%arg4 : memref<3328xi32, #tpu.memory_space<vmem>>)
      tpu.yield
    }) : () -> ()
    %scan3A = arith.constant 0 : i32
    %scan3A_23 = arith.constant 0 : i32
    %scan3A_24 = arith.constant 26 : i32
    %scan3A_25 = arith.addi %scan3A_23, %scan3A_24 : i32
    %scan3A_26 = arith.constant 1 : i32
    scf.for %scan3A_94 = %scan3A_23 to %scan3A_25 step %scan3A_26  : i32 {
      %scan3A_95 = arith.constant 0 : i32
      %scan3A_96 = arith.constant 0 : i32
      %scan3A_97 = arith.constant 62 : i32
      %scan3A_98 = arith.addi %scan3A_96, %scan3A_97 : i32
      %scan3A_99 = arith.constant 1 : i32
      scf.for %scan3A_111 = %scan3A_96 to %scan3A_98 step %scan3A_99  : i32 {
        %mul3A_112 = arith.constant 16 : i32
        %mul3A_113 = arith.muli %scan3A_111, %mul3A_112 : i32
        %swap3A_114 = arith.constant 0 : i32
        %swap3A_115 = arith.index_cast %swap3A_114 : i32 to index
        %swap3A_116 = arith.index_cast %scan3A_94 : i32 to index
        %swap3A_117 = arith.index_cast %mul3A_113 : i32 to index
        %swap3A_118 = tpu.vector_load %arg5[%swap3A_115, %swap3A_116, %swap3A_117] {strides = array<i32>} : memref<1x26x1000xi32, #tpu.memory_space<vmem>>, vector<16xi32>,
        tpu.vector_store %arg5[%swap3A_115, %swap3A_116, %swap3A_117], %broadcast_in_dim3A_3 {strides = array<i32>} : memref<1x26x1000xi32, #tpu.memory_space<vmem>>, vector<16xi32>,
        %mul3A_119 = arith.constant 16 : i32
        %mul3A_120 = arith.muli %scan3A_111, %mul3A_119 : i32
        %swap3A_121 = arith.constant 0 : i32
        %swap3A_122 = arith.index_cast %swap3A_121 : i32 to index
        %swap3A_123 = arith.index_cast %scan3A_94 : i32 to index
        %swap3A_124 = arith.index_cast %mul3A_120 : i32 to index
        %swap3A_125 = tpu.vector_load %arg6[%swap3A_122, %swap3A_123, %swap3A_124] {strides = array<i32>} : memref<1x26x1000xi32, #tpu.memory_space<vmem>>, vector<16xi32>,
        tpu.vector_store %arg6[%swap3A_122, %swap3A_123, %swap3A_124], %broadcast_in_dim3A_3 {strides = array<i32>} : memref<1x26x1000xi32, #tpu.memory_space<vmem>>, vector<16xi32>,
      }
      %scan3A_100 = arith.constant 62 : i32
      %swap3A_101 = arith.constant 0 : i32
      %swap3A_102 = arith.index_cast %swap3A_101 : i32 to index
      %swap3A_103 = arith.index_cast %scan3A_94 : i32 to index
      %swap3A_104 = arith.constant 984 : index
      %swap3A_105 = tpu.vector_load %arg5[%swap3A_102, %swap3A_103, %swap3A_104] {strides = array<i32>} : memref<1x26x1000xi32, #tpu.memory_space<vmem>>, vector<16xi32>,
      tpu.vector_store %arg5[%swap3A_102, %swap3A_103, %swap3A_104], %broadcast_in_dim3A_3 {strides = array<i32>} : memref<1x26x1000xi32, #tpu.memory_space<vmem>>, vector<16xi32>,
      %swap3A_106 = arith.constant 0 : i32
      %swap3A_107 = arith.index_cast %swap3A_106 : i32 to index
      %swap3A_108 = arith.index_cast %scan3A_94 : i32 to index
      %swap3A_109 = arith.constant 984 : index
      %swap3A_110 = tpu.vector_load %arg6[%swap3A_107, %swap3A_108, %swap3A_109] {strides = array<i32>} : memref<1x26x1000xi32, #tpu.memory_space<vmem>>, vector<16xi32>,
      tpu.vector_store %arg6[%swap3A_107, %swap3A_108, %swap3A_109], %broadcast_in_dim3A_3 {strides = array<i32>} : memref<1x26x1000xi32, #tpu.memory_space<vmem>>, vector<16xi32>,
    }
    %scan3A_27 = arith.constant 26 : i32
    %swap3A = arith.constant 0 : index
    %swap3A_28 = tpu.vector_load %arg7[%swap3A] {strides = array<i32>} : memref<64xi32, #tpu.memory_space<vmem>>, vector<16xi32>,
    tpu.vector_store %arg7[%swap3A], %broadcast_in_dim3A_3 {strides = array<i32>} : memref<64xi32, #tpu.memory_space<vmem>>, vector<16xi32>,
    %swap3A_29 = arith.constant 16 : index
    %swap3A_30 = tpu.vector_load %arg7[%swap3A_29] {strides = array<i32>} : memref<64xi32, #tpu.memory_space<vmem>>, vector<16xi32>,
    tpu.vector_store %arg7[%swap3A_29], %broadcast_in_dim3A_3 {strides = array<i32>} : memref<64xi32, #tpu.memory_space<vmem>>, vector<16xi32>,
    %swap3A_31 = arith.constant 32 : index
    %swap3A_32 = tpu.vector_load %arg7[%swap3A_31] {strides = array<i32>} : memref<64xi32, #tpu.memory_space<vmem>>, vector<16xi32>,
    tpu.vector_store %arg7[%swap3A_31], %broadcast_in_dim3A_3 {strides = array<i32>} : memref<64xi32, #tpu.memory_space<vmem>>, vector<16xi32>,
    %swap3A_33 = arith.constant 48 : index
    %swap3A_34 = tpu.vector_load %arg7[%swap3A_33] {strides = array<i32>} : memref<64xi32, #tpu.memory_space<vmem>>, vector<16xi32>,
    tpu.vector_store %arg7[%swap3A_33], %broadcast_in_dim3A_3 {strides = array<i32>} : memref<64xi32, #tpu.memory_space<vmem>>, vector<16xi32>,
    %get3A = arith.constant 0 : index
    %get3A_35 = tpu.vector_load %arg7[%get3A] {strides = array<i32>} : memref<64xi32, #tpu.memory_space<vmem>>, vector<16xi32>,
    tpu.vector_store_idx %arg5[%mul3A_9, %min3A_14, %get3A_35], %broadcast_in_dim3A_3 : memref<1x26x1000xi32, #tpu.memory_space<vmem>>[vector<16xi32>, vector<16xi32>, vector<16xi32>], vector<16xi32>,
    %get3A_36 = arith.constant 16 : index
    %get3A_37 = tpu.vector_load %arg7[%get3A_36] {strides = array<i32>} : memref<64xi32, #tpu.memory_space<vmem>>, vector<16xi32>,
    tpu.vector_store_idx %arg5[%mul3A_9, %min3A_20, %get3A_37], %broadcast_in_dim3A_3 : memref<1x26x1000xi32, #tpu.memory_space<vmem>>[vector<16xi32>, vector<16xi32>, vector<16xi32>], vector<16xi32>,
    %get3A_38 = arith.constant 0 : index
    %get3A_39 = tpu.vector_load %arg4[%get3A_38] {strides = array<i32>} : memref<3328xi32, #tpu.memory_space<vmem>>, vector<16xi32>,
    tpu.vector_store_idx %arg5[%mul3A_9, %min3A_14, %get3A_39], %add3A_6 : memref<1x26x1000xi32, #tpu.memory_space<vmem>>[vector<16xi32>, vector<16xi32>, vector<16xi32>], vector<16xi32>,
    %swap3A_40 = arith.constant 0 : index
    %swap3A_41 = tpu.vector_load %arg7[%swap3A_40] {strides = array<i32>} : memref<64xi32, #tpu.memory_space<vmem>>, vector<16xi32>,
    tpu.vector_store %arg7[%swap3A_40], %get3A_39 {strides = array<i32>} : memref<64xi32, #tpu.memory_space<vmem>>, vector<16xi32>,
    %get3A_42 = arith.constant 10 : index
    %get3A_43 = tpu.vector_load %arg4[%get3A_42] {strides = array<i32>} : memref<3328xi32, #tpu.memory_space<vmem>>, vector<16xi32>,
    tpu.vector_store_idx %arg5[%mul3A_9, %min3A_20, %get3A_43], %add3A_6 : memref<1x26x1000xi32, #tpu.memory_space<vmem>>[vector<16xi32>, vector<16xi32>, vector<16xi32>], vector<16xi32>,
    %swap3A_44 = arith.constant 16 : index
    %swap3A_45 = tpu.vector_load %arg7[%swap3A_44] {strides = array<i32>} : memref<64xi32, #tpu.memory_space<vmem>>, vector<16xi32>,
    tpu.vector_store %arg7[%swap3A_44], %get3A_43 {strides = array<i32>} : memref<64xi32, #tpu.memory_space<vmem>>, vector<16xi32>,
    %add3A_46 = arith.constant 0 : i32
    %add3A_47 = arith.addi %mul3A_2, %add3A_46 : i32
    %dma_start3A = arith.constant 0 : i32
    %dma_start3A_48 = arith.constant 0 : i32
    %dma_start3A_49 = tpu.memref_slice %arg3[%add3A_47, %dma_start3A, %dma_start3A_48] : memref<4096x26x1000xi32, #tpu.memory_space<hbm>> -> memref<1x26x1000xi32, #tpu.memory_space<hbm>>
    %dma_start3A_50 = arith.constant 0 : i32
    %dma_start3A_51 = arith.constant 0 : i32
    %dma_start3A_52 = tpu.memref_slice %arg3[%add3A_47, %dma_start3A_50, %dma_start3A_51] : memref<4096x26x1000xi32, #tpu.memory_space<hbm>> -> memref<1x26x1000xi32, #tpu.memory_space<hbm>>
    tpu.enqueue_dma source(%arg5 : memref<1x26x1000xi32, #tpu.memory_space<vmem>>) target(%dma_start3A_52 : memref<1x26x1000xi32, #tpu.memory_space<hbm>>) target_semaphore(%arg8 : memref<!tpu.dma_semaphore, #tpu.memory_space<semaphore_mem>>)
    %get3A_53 = arith.constant 32 : index
    %get3A_54 = tpu.vector_load %arg7[%get3A_53] {strides = array<i32>} : memref<64xi32, #tpu.memory_space<vmem>>, vector<16xi32>,
    tpu.vector_store_idx %arg6[%mul3A_9, %min3A_14, %get3A_54], %broadcast_in_dim3A_3 : memref<1x26x1000xi32, #tpu.memory_space<vmem>>[vector<16xi32>, vector<16xi32>, vector<16xi32>], vector<16xi32>,
    %get3A_55 = arith.constant 48 : index
    %get3A_56 = tpu.vector_load %arg7[%get3A_55] {strides = array<i32>} : memref<64xi32, #tpu.memory_space<vmem>>, vector<16xi32>,
    tpu.vector_store_idx %arg6[%mul3A_9, %min3A_20, %get3A_56], %broadcast_in_dim3A_3 : memref<1x26x1000xi32, #tpu.memory_space<vmem>>[vector<16xi32>, vector<16xi32>, vector<16xi32>], vector<16xi32>,
    %get3A_57 = arith.constant 26 : index
    %get3A_58 = tpu.vector_load %arg4[%get3A_57] {strides = array<i32>} : memref<3328xi32, #tpu.memory_space<vmem>>, vector<16xi32>,
    tpu.vector_store_idx %arg6[%mul3A_9, %min3A_14, %get3A_58], %add3A_6 : memref<1x26x1000xi32, #tpu.memory_space<vmem>>[vector<16xi32>, vector<16xi32>, vector<16xi32>], vector<16xi32>,
    %swap3A_59 = arith.constant 32 : index
    %swap3A_60 = tpu.vector_load %arg7[%swap3A_59] {strides = array<i32>} : memref<64xi32, #tpu.memory_space<vmem>>, vector<16xi32>,
    tpu.vector_store %arg7[%swap3A_59], %get3A_58 {strides = array<i32>} : memref<64xi32, #tpu.memory_space<vmem>>, vector<16xi32>,
    %get3A_61 = arith.constant 36 : index
    %get3A_62 = tpu.vector_load %arg4[%get3A_61] {strides = array<i32>} : memref<3328xi32, #tpu.memory_space<vmem>>, vector<16xi32>,
    tpu.vector_store_idx %arg6[%mul3A_9, %min3A_20, %get3A_62], %add3A_6 : memref<1x26x1000xi32, #tpu.memory_space<vmem>>[vector<16xi32>, vector<16xi32>, vector<16xi32>], vector<16xi32>,
    %swap3A_63 = arith.constant 48 : index
    %swap3A_64 = tpu.vector_load %arg7[%swap3A_63] {strides = array<i32>} : memref<64xi32, #tpu.memory_space<vmem>>, vector<16xi32>,
    tpu.vector_store %arg7[%swap3A_63], %get3A_62 {strides = array<i32>} : memref<64xi32, #tpu.memory_space<vmem>>, vector<16xi32>,
    %add3A_65 = arith.constant 1 : i32
    %add3A_66 = arith.addi %mul3A_2, %add3A_65 : i32
    %dma_start3A_67 = arith.constant 0 : i32
    %dma_start3A_68 = arith.constant 0 : i32
    %dma_start3A_69 = tpu.memref_slice %arg3[%add3A_66, %dma_start3A_67, %dma_start3A_68] : memref<4096x26x1000xi32, #tpu.memory_space<hbm>> -> memref<1x26x1000xi32, #tpu.memory_space<hbm>>
    %dma_start3A_70 = arith.constant 0 : i32
    %dma_start3A_71 = arith.constant 0 : i32
    %dma_start3A_72 = tpu.memref_slice %arg3[%add3A_66, %dma_start3A_70, %dma_start3A_71] : memref<4096x26x1000xi32, #tpu.memory_space<hbm>> -> memref<1x26x1000xi32, #tpu.memory_space<hbm>>
    tpu.enqueue_dma source(%arg6 : memref<1x26x1000xi32, #tpu.memory_space<vmem>>) target(%dma_start3A_72 : memref<1x26x1000xi32, #tpu.memory_space<hbm>>) target_semaphore(%arg9 : memref<!tpu.dma_semaphore, #tpu.memory_space<semaphore_mem>>)
    %scan3A_73 = arith.constant 0 : i32
    %scan3A_74 = arith.constant 1 : i32
    %scan3A_75 = arith.constant 63 : i32
    %scan3A_76 = arith.addi %scan3A_74, %scan3A_75 : i32
    %scan3A_77 = arith.constant 1 : i32
    scf.for %scan3A_94 = %scan3A_74 to %scan3A_76 step %scan3A_77  : i32 {
      %mul3A_95 = arith.constant 2 : i32
      %mul3A_96 = arith.muli %scan3A_94, %mul3A_95 : i32
      %add3A_97 = arith.constant 0 : i32
      %add3A_98 = arith.addi %mul3A_96, %add3A_97 : i32
      %add3A_99 = arith.addi %mul3A_2, %add3A_98 : i32
      %dma_wait3A_100 = arith.constant 0 : i32
      %dma_wait3A_101 = arith.constant 0 : i32
      %dma_wait3A_102 = tpu.memref_slice %arg3[%add3A_99, %dma_wait3A_100, %dma_wait3A_101] : memref<4096x26x1000xi32, #tpu.memory_space<hbm>> -> memref<1x26x1000xi32, #tpu.memory_space<hbm>>
      %dma_wait3A_103 = arith.constant 0 : i32
      %dma_wait3A_104 = arith.constant 0 : i32
      %dma_wait3A_105 = tpu.memref_slice %arg3[%add3A_99, %dma_wait3A_103, %dma_wait3A_104] : memref<4096x26x1000xi32, #tpu.memory_space<hbm>> -> memref<1x26x1000xi32, #tpu.memory_space<hbm>>
      tpu.wait_dma2 semaphore(%arg8 : memref<!tpu.dma_semaphore, #tpu.memory_space<semaphore_mem>>) src(%arg5 : memref<1x26x1000xi32, #tpu.memory_space<vmem>>) dst(%dma_wait3A_105 : memref<1x26x1000xi32, #tpu.memory_space<hbm>>)
      %get3A_106 = arith.constant 0 : index
      %get3A_107 = tpu.vector_load %arg7[%get3A_106] {strides = array<i32>} : memref<64xi32, #tpu.memory_space<vmem>>, vector<16xi32>,
      tpu.vector_store_idx %arg5[%mul3A_9, %min3A_14, %get3A_107], %broadcast_in_dim3A_3 : memref<1x26x1000xi32, #tpu.memory_space<vmem>>[vector<16xi32>, vector<16xi32>, vector<16xi32>], vector<16xi32>,
      %get3A_108 = arith.constant 16 : index
      %get3A_109 = tpu.vector_load %arg7[%get3A_108] {strides = array<i32>} : memref<64xi32, #tpu.memory_space<vmem>>, vector<16xi32>,
      tpu.vector_store_idx %arg5[%mul3A_9, %min3A_20, %get3A_109], %broadcast_in_dim3A_3 : memref<1x26x1000xi32, #tpu.memory_space<vmem>>[vector<16xi32>, vector<16xi32>, vector<16xi32>], vector<16xi32>,
      %mul3A_110 = arith.constant 26 : i32
      %mul3A_111 = arith.muli %add3A_98, %mul3A_110 : i32
      %add3A_112 = arith.constant 0 : i32
      %add3A_113 = arith.addi %mul3A_111, %add3A_112 : i32
      %get3A_114 = arith.index_cast %add3A_113 : i32 to index
      %get3A_115 = tpu.vector_load %arg4[%get3A_114] {strides = array<i32>} : memref<3328xi32, #tpu.memory_space<vmem>>, vector<16xi32>,
      tpu.vector_store_idx %arg5[%mul3A_9, %min3A_14, %get3A_115], %add3A_6 : memref<1x26x1000xi32, #tpu.memory_space<vmem>>[vector<16xi32>, vector<16xi32>, vector<16xi32>], vector<16xi32>,
      %swap3A_116 = arith.constant 0 : index
      %swap3A_117 = tpu.vector_load %arg7[%swap3A_116] {strides = array<i32>} : memref<64xi32, #tpu.memory_space<vmem>>, vector<16xi32>,
      tpu.vector_store %arg7[%swap3A_116], %get3A_115 {strides = array<i32>} : memref<64xi32, #tpu.memory_space<vmem>>, vector<16xi32>,
      %mul3A_118 = arith.constant 26 : i32
      %mul3A_119 = arith.muli %add3A_98, %mul3A_118 : i32
      %add3A_120 = arith.constant 10 : i32
      %add3A_121 = arith.addi %mul3A_119, %add3A_120 : i32
      %get3A_122 = arith.index_cast %add3A_121 : i32 to index
      %get3A_123 = tpu.vector_load %arg4[%get3A_122] {strides = array<i32>} : memref<3328xi32, #tpu.memory_space<vmem>>, vector<16xi32>,
      tpu.vector_store_idx %arg5[%mul3A_9, %min3A_20, %get3A_123], %add3A_6 : memref<1x26x1000xi32, #tpu.memory_space<vmem>>[vector<16xi32>, vector<16xi32>, vector<16xi32>], vector<16xi32>,
      %swap3A_124 = arith.constant 16 : index
      %swap3A_125 = tpu.vector_load %arg7[%swap3A_124] {strides = array<i32>} : memref<64xi32, #tpu.memory_space<vmem>>, vector<16xi32>,
      tpu.vector_store %arg7[%swap3A_124], %get3A_123 {strides = array<i32>} : memref<64xi32, #tpu.memory_space<vmem>>, vector<16xi32>,
      %add3A_126 = arith.addi %mul3A_2, %add3A_98 : i32
      %dma_start3A_127 = arith.constant 0 : i32
      %dma_start3A_128 = arith.constant 0 : i32
      %dma_start3A_129 = tpu.memref_slice %arg3[%add3A_126, %dma_start3A_127, %dma_start3A_128] : memref<4096x26x1000xi32, #tpu.memory_space<hbm>> -> memref<1x26x1000xi32, #tpu.memory_space<hbm>>
      %dma_start3A_130 = arith.constant 0 : i32
      %dma_start3A_131 = arith.constant 0 : i32
      %dma_start3A_132 = tpu.memref_slice %arg3[%add3A_126, %dma_start3A_130, %dma_start3A_131] : memref<4096x26x1000xi32, #tpu.memory_space<hbm>> -> memref<1x26x1000xi32, #tpu.memory_space<hbm>>
      tpu.enqueue_dma source(%arg5 : memref<1x26x1000xi32, #tpu.memory_space<vmem>>) target(%dma_start3A_132 : memref<1x26x1000xi32, #tpu.memory_space<hbm>>) target_semaphore(%arg8 : memref<!tpu.dma_semaphore, #tpu.memory_space<semaphore_mem>>)
      %mul3A_133 = arith.constant 2 : i32
      %mul3A_134 = arith.muli %scan3A_94, %mul3A_133 : i32
      %add3A_135 = arith.constant 1 : i32
      %add3A_136 = arith.addi %mul3A_134, %add3A_135 : i32
      %add3A_137 = arith.addi %mul3A_2, %add3A_136 : i32
      %dma_wait3A_138 = arith.constant 0 : i32
      %dma_wait3A_139 = arith.constant 0 : i32
      %dma_wait3A_140 = tpu.memref_slice %arg3[%add3A_137, %dma_wait3A_138, %dma_wait3A_139] : memref<4096x26x1000xi32, #tpu.memory_space<hbm>> -> memref<1x26x1000xi32, #tpu.memory_space<hbm>>
      %dma_wait3A_141 = arith.constant 0 : i32
      %dma_wait3A_142 = arith.constant 0 : i32
      %dma_wait3A_143 = tpu.memref_slice %arg3[%add3A_137, %dma_wait3A_141, %dma_wait3A_142] : memref<4096x26x1000xi32, #tpu.memory_space<hbm>> -> memref<1x26x1000xi32, #tpu.memory_space<hbm>>
      tpu.wait_dma2 semaphore(%arg9 : memref<!tpu.dma_semaphore, #tpu.memory_space<semaphore_mem>>) src(%arg6 : memref<1x26x1000xi32, #tpu.memory_space<vmem>>) dst(%dma_wait3A_143 : memref<1x26x1000xi32, #tpu.memory_space<hbm>>)
      %get3A_144 = arith.constant 32 : index
      %get3A_145 = tpu.vector_load %arg7[%get3A_144] {strides = array<i32>} : memref<64xi32, #tpu.memory_space<vmem>>, vector<16xi32>,
      tpu.vector_store_idx %arg6[%mul3A_9, %min3A_14, %get3A_145], %broadcast_in_dim3A_3 : memref<1x26x1000xi32, #tpu.memory_space<vmem>>[vector<16xi32>, vector<16xi32>, vector<16xi32>], vector<16xi32>,
      %get3A_146 = arith.constant 48 : index
      %get3A_147 = tpu.vector_load %arg7[%get3A_146] {strides = array<i32>} : memref<64xi32, #tpu.memory_space<vmem>>, vector<16xi32>,
      tpu.vector_store_idx %arg6[%mul3A_9, %min3A_20, %get3A_147], %broadcast_in_dim3A_3 : memref<1x26x1000xi32, #tpu.memory_space<vmem>>[vector<16xi32>, vector<16xi32>, vector<16xi32>], vector<16xi32>,
      %mul3A_148 = arith.constant 26 : i32
      %mul3A_149 = arith.muli %add3A_136, %mul3A_148 : i32
      %add3A_150 = arith.constant 0 : i32
      %add3A_151 = arith.addi %mul3A_149, %add3A_150 : i32
      %get3A_152 = arith.index_cast %add3A_151 : i32 to index
      %get3A_153 = tpu.vector_load %arg4[%get3A_152] {strides = array<i32>} : memref<3328xi32, #tpu.memory_space<vmem>>, vector<16xi32>,
      tpu.vector_store_idx %arg6[%mul3A_9, %min3A_14, %get3A_153], %add3A_6 : memref<1x26x1000xi32, #tpu.memory_space<vmem>>[vector<16xi32>, vector<16xi32>, vector<16xi32>], vector<16xi32>,
      %swap3A_154 = arith.constant 32 : index
      %swap3A_155 = tpu.vector_load %arg7[%swap3A_154] {strides = array<i32>} : memref<64xi32, #tpu.memory_space<vmem>>, vector<16xi32>,
      tpu.vector_store %arg7[%swap3A_154], %get3A_153 {strides = array<i32>} : memref<64xi32, #tpu.memory_space<vmem>>, vector<16xi32>,
      %mul3A_156 = arith.constant 26 : i32
      %mul3A_157 = arith.muli %add3A_136, %mul3A_156 : i32
      %add3A_158 = arith.constant 10 : i32
      %add3A_159 = arith.addi %mul3A_157, %add3A_158 : i32
      %get3A_160 = arith.index_cast %add3A_159 : i32 to index
      %get3A_161 = tpu.vector_load %arg4[%get3A_160] {strides = array<i32>} : memref<3328xi32, #tpu.memory_space<vmem>>, vector<16xi32>,
      tpu.vector_store_idx %arg6[%mul3A_9, %min3A_20, %get3A_161], %add3A_6 : memref<1x26x1000xi32, #tpu.memory_space<vmem>>[vector<16xi32>, vector<16xi32>, vector<16xi32>], vector<16xi32>,
      %swap3A_162 = arith.constant 48 : index
      %swap3A_163 = tpu.vector_load %arg7[%swap3A_162] {strides = array<i32>} : memref<64xi32, #tpu.memory_space<vmem>>, vector<16xi32>,
      tpu.vector_store %arg7[%swap3A_162], %get3A_161 {strides = array<i32>} : memref<64xi32, #tpu.memory_space<vmem>>, vector<16xi32>,
      %add3A_164 = arith.addi %mul3A_2, %add3A_136 : i32
      %dma_start3A_165 = arith.constant 0 : i32
      %dma_start3A_166 = arith.constant 0 : i32
      %dma_start3A_167 = tpu.memref_slice %arg3[%add3A_164, %dma_start3A_165, %dma_start3A_166] : memref<4096x26x1000xi32, #tpu.memory_space<hbm>> -> memref<1x26x1000xi32, #tpu.memory_space<hbm>>
      %dma_start3A_168 = arith.constant 0 : i32
      %dma_start3A_169 = arith.constant 0 : i32
      %dma_start3A_170 = tpu.memref_slice %arg3[%add3A_164, %dma_start3A_168, %dma_start3A_169] : memref<4096x26x1000xi32, #tpu.memory_space<hbm>> -> memref<1x26x1000xi32, #tpu.memory_space<hbm>>
      tpu.enqueue_dma source(%arg6 : memref<1x26x1000xi32, #tpu.memory_space<vmem>>) target(%dma_start3A_170 : memref<1x26x1000xi32, #tpu.memory_space<hbm>>) target_semaphore(%arg9 : memref<!tpu.dma_semaphore, #tpu.memory_space<semaphore_mem>>)
    }
    %scan3A_78 = arith.constant 63 : i32
    %add3A_79 = arith.constant 0 : i32
    %add3A_80 = arith.addi %mul3A_2, %add3A_79 : i32
    %dma_wait3A = arith.constant 0 : i32
    %dma_wait3A_81 = arith.constant 0 : i32
    %dma_wait3A_82 = tpu.memref_slice %arg3[%add3A_80, %dma_wait3A, %dma_wait3A_81] : memref<4096x26x1000xi32, #tpu.memory_space<hbm>> -> memref<1x26x1000xi32, #tpu.memory_space<hbm>>
    %dma_wait3A_83 = arith.constant 0 : i32
    %dma_wait3A_84 = arith.constant 0 : i32
    %dma_wait3A_85 = tpu.memref_slice %arg3[%add3A_80, %dma_wait3A_83, %dma_wait3A_84] : memref<4096x26x1000xi32, #tpu.memory_space<hbm>> -> memref<1x26x1000xi32, #tpu.memory_space<hbm>>
    tpu.wait_dma2 semaphore(%arg8 : memref<!tpu.dma_semaphore, #tpu.memory_space<semaphore_mem>>) src(%arg5 : memref<1x26x1000xi32, #tpu.memory_space<vmem>>) dst(%dma_wait3A_85 : memref<1x26x1000xi32, #tpu.memory_space<hbm>>)
    %add3A_86 = arith.constant 1 : i32
    %add3A_87 = arith.addi %mul3A_2, %add3A_86 : i32
    %dma_wait3A_88 = arith.constant 0 : i32
    %dma_wait3A_89 = arith.constant 0 : i32
    %dma_wait3A_90 = tpu.memref_slice %arg3[%add3A_87, %dma_wait3A_88, %dma_wait3A_89] : memref<4096x26x1000xi32, #tpu.memory_space<hbm>> -> memref<1x26x1000xi32, #tpu.memory_space<hbm>>
    %dma_wait3A_91 = arith.constant 0 : i32
    %dma_wait3A_92 = arith.constant 0 : i32
    %dma_wait3A_93 = tpu.memref_slice %arg3[%add3A_87, %dma_wait3A_91, %dma_wait3A_92] : memref<4096x26x1000xi32, #tpu.memory_space<hbm>> -> memref<1x26x1000xi32, #tpu.memory_space<hbm>>
    tpu.wait_dma2 semaphore(%arg9 : memref<!tpu.dma_semaphore, #tpu.memory_space<semaphore_mem>>) src(%arg6 : memref<1x26x1000xi32, #tpu.memory_space<vmem>>) dst(%dma_wait3A_93 : memref<1x26x1000xi32, #tpu.memory_space<hbm>>)
    return
  }
}

</mosaic_0001>

<sc_bundles>
// kernel: kernel.3.cloned.1.call-start
scs
__scs_entry_jumppad:
0x0: {  	(pc) =	sbr.rel $0x88, $3  }
0x1: {  	(tag) =	ssettag $0x0;
	lr =	simm.s32 $0x1  }
0x2: {  	[smem:$0x3FA0] =	sst lr;
	_ =	strace $0xD0000000  }
0x3: {  	_ = 	snop  }
0x4: {  	_ = 	snop  }
0x5: {  	_ = 	snop  }
0x6: {  	_ = 	snop  }
0x7: {  	_ = 	snop  }
__scs_overlays_trampoline_lowered:
0x8: {  	[smem:$0x3FAF] =	sst s0  }
0x9: {  	[smem:$0x3FB0] =	sst s1  }
0xa: {  	[smem:$0x3FB1] =	sst s2  }
0xb: {  	[smem:$0x3FB2] =	sst s3  }
0xc: {  	[smem:$0x3FB3] =	sst s4  }
0xd: {  	[smem:$0x3FB4] =	sst s5  }
0xe: {  	[smem:$0x3FB5] =	sst s6  }
0xf: {  	[smem:$0x3FB6] =	sst s7  }
0x10: {  	[smem:$0x3FB7] =	sst s8  }
0x11: {  	[smem:$0x3FB8] =	sst s9;
	s0 =	simm.s32 @!p0 $0x0  }
0x12: {  	s1 =	sld [smem:$0x3F9E];
	s0 =	simm.s32 @p0 $0x1  }
0x13: {  	[smem:$0x3FB9] =	sst s0;
	s0 =	simm.s32 @!p1 $0x0  }
0x14: {  	s2 =	sld [smem:$0x3F9D];
	s0 =	simm.s32 @p1 $0x1  }
0x15: {  	[smem:$0x3FBA] =	sst s0;
	s0 =	simm.s32 @!p2 $0x0  }
0x16: {  	s3 =	sld [smem:$0x3FDB];
	s0 =	simm.s32 @p2 $0x1  }
0x17: {  	s4 =	simm.s32 $0x1BF5;
	[smem:$0x3FBC] =	sst s0  }
0x18: {  	s0 =	sld [smem:$0x3F9F];
	_ =	swait.ge [sflag:s4], $0x0  }
0x19: {  	s7 =	sld [smem:$0x3FA0]  }
0x1a: {  	s8 =	sadd.s32 $0xFFFFE003, lr  }
0x1b: {  	s9 =	sadd.s32 $0xFFFFFEF7, lr;
	s5 =	simm.s32 $0xFFFFFFFF;
	p2 =	slt.u32 s8, $0xFFFFF086  }
0x1c: {  	p1 =	slt.u32 s9, $0xF7A;
	s5 =	simm.s32 @!p2 $0x0  }
0x1d: {  	s5 =	simm.s32 @p1 $0x1;
	p0 =	seq.s32 s7, s2  }
0x1e: {  	s7 =	smul.u32 @!p0 $0xF7A, s2;
	p2 =	seq.s32 @!p0 s5, $0x0  }
0x1f: {  	s9 =	smul.u32 $0xF7A, s1;
	s8 =	simm.s32 @!p0 $0x1BF5;
	p2 =	por !p2, p0  }
0x20: {  	[sflag:s8] =	ssyncset.s32 @!p0 $0xFFFFF086;
	s6 =	sadd.s32 @!p0 s3, s7;
	s7 =	simm.s32 @!p0 $0x108  }
0x21: {  	s3 =	sadd.s32 s3, s9;
	s6 =	sadd.s32 @!p0 $0x88, s6;
	s7 =	simm.s32 @p2 $0x1082  }
0x22: {  	[simem:s7], [sflag:s8] =	dma.local @!p0 [hbm:s6], $0xF7A  }
0x23: {  	s9 =	sor.u32 $0xD0000000, s2;
	s6 =	simm.s32 $0x108;
	_ =	swait.ge @!p0 [sflag:s8], $0x0  }
0x24: {  	s3 =	sadd.s32 $0x88, s3;
	s6 =	simm.s32 @!p1 $0x1082;
	[sflag:s4] =	ssyncset.s32 $0xFFFFF086  }
0x25: {  	[simem:s6], [sflag:s4] =	dma.local [hbm:s3], $0xF7A  }
0x26: {  	[smem:$0x3FA0] =	sst s1;
	(tag) =	ssettag s2;
	_ =	strace s9  }
0x27: {  	s1 =	sld [smem:$0x3FB0]  }
0x28: {  	s2 =	sld [smem:$0x3FB1]  }
0x29: {  	s4 =	sld [smem:$0x3FB3]  }
0x2a: {  	p0 =	seq.s32 s5, $0x0;
	s5 =	sld [smem:$0x3FB4]  }
0x2b: {  	s6 =	sld [smem:$0x3FB5]  }
0x2c: {  	s7 =	sld [smem:$0x3FB6]  }
0x2d: {  	s3 =	simm.s32 $0x108;
	s8 =	sld [smem:$0x3FB7]  }
0x2e: {  	s3 =	simm.s32 @!p0 $0x1082;
	s9 =	sld [smem:$0x3FB8]  }
0x2f: {  	lr =	sadd.s32 s0, s3;
	s0 =	sld [smem:$0x3FAF]  }
0x30: {  	s3 =	sld [smem:$0x3FB2]  }
0x31: {  	[smem:$0x3FBB] =	sst s10  }
0x32: {  	s10 =	sld [smem:$0x3FB9];
	_ =	sdelay $0x3  }
0x33: {  	p0 =	seq.s32 s10, $0x1;
	s10 =	sld [smem:$0x3FBB];
	_ =	sdelay $0x3  }
0x34: {  	[smem:$0x3FBB] =	sst s10  }
0x35: {  	s10 =	sld [smem:$0x3FBA];
	_ =	sdelay $0x3  }
0x36: {  	p1 =	seq.s32 s10, $0x1;
	s10 =	sld [smem:$0x3FBB];
	_ =	sdelay $0x3  }
0x37: {  	[smem:$0x3FBB] =	sst s10  }
0x38: {  	s10 =	sld [smem:$0x3FBC]  }
0x39: {  	_ = 	snop;
	(pc) =	sbr.ind lr, $3  }
0x3a: {  	_ = 	snop  }
0x3b: {  	_ = 	snop  }
0x3c: {  	p2 =	seq.s32 s10, $0x1;
	s10 =	sld [smem:$0x3FBB]  }
0x3d: {  	_ =	shalt  }
0x3e: {  	_ =	shalt  }
0x3f: {  	_ =	shalt  }
0x40: {  	_ =	shalt  }
0x41: {  	_ =	shalt  }
0x42: {  	_ =	shalt  }
0x43: {  	_ =	shalt  }
0x44: {  	_ =	shalt  }
0x45: {  	_ =	shalt  }
0x46: {  	_ =	shalt  }
0x47: {  	_ =	shalt  }
0x48: {  	_ =	shalt  }
0x49: {  	_ =	shalt  }
0x4a: {  	_ =	shalt  }
0x4b: {  	_ =	shalt  }
0x4c: {  	_ =	shalt  }
0x4d: {  	_ =	shalt  }
0x4e: {  	_ =	shalt  }
0x4f: {  	_ =	shalt  }
0x50: {  	_ =	shalt  }
0x51: {  	_ =	shalt  }
0x52: {  	_ =	shalt  }
0x53: {  	_ =	shalt  }
0x54: {  	_ =	shalt  }
0x55: {  	_ =	shalt  }
0x56: {  	_ =	shalt  }
0x57: {  	_ =	shalt  }
0x58: {  	_ =	shalt  }
0x59: {  	_ =	shalt  }
0x5a: {  	_ =	shalt  }
0x5b: {  	_ =	shalt  }
0x5c: {  	_ =	shalt  }
0x5d: {  	_ =	shalt  }
0x5e: {  	_ =	shalt  }
0x5f: {  	_ =	shalt  }
0x60: {  	_ =	shalt  }
0x61: {  	_ =	shalt  }
0x62: {  	_ =	shalt  }
0x63: {  	_ =	shalt  }
0x64: {  	_ =	shalt  }
0x65: {  	_ =	shalt  }
0x66: {  	_ =	shalt  }
0x67: {  	_ =	shalt  }
0x68: {  	_ =	shalt  }
0x69: {  	_ =	shalt  }
0x6a: {  	_ =	shalt  }
0x6b: {  	_ =	shalt  }
0x6c: {  	_ =	shalt  }
0x6d: {  	_ =	shalt  }
0x6e: {  	_ =	shalt  }
0x6f: {  	_ =	shalt  }
0x70: {  	_ =	shalt  }
0x71: {  	_ =	shalt  }
0x72: {  	_ =	shalt  }
0x73: {  	_ =	shalt  }
0x74: {  	_ =	shalt  }
0x75: {  	_ =	shalt  }
0x76: {  	_ =	shalt  }
0x77: {  	_ =	shalt  }
0x78: {  	_ =	shalt  }
0x79: {  	_ =	shalt  }
0x7a: {  	_ =	shalt  }
0x7b: {  	_ =	shalt  }
0x7c: {  	_ =	shalt  }
0x7d: {  	_ =	shalt  }
0x7e: {  	_ =	shalt  }
0x7f: {  	_ =	shalt  }
0x80: {  	_ =	shalt  }
0x81: {  	_ =	shalt  }
0x82: {  	_ =	shalt  }
0x83: {  	_ =	shalt  }
0x84: {  	_ =	shalt  }
0x85: {  	_ =	shalt  }
0x86: {  	_ =	shalt  }
0x87: {  	_ =	shalt  }
.Lfunc_end0:
.L_simem_size_0:
called_computation_lowered:
.L_overlay_start_0:
0x88: {  	s2 =	sld [smem:$0x3FD9]  }
0x89: {  	s3 =	sld [smem:$0x3FFE];
	_ =	sdelay $0x1  }
0x8a: {  	s1 =	srdreg.scid  }
0x8b: {  	s0 =	sand.u32 $0x1, s1  }
0x8c: {  	s17 =	sshll.u32 s0, $0xA;
	s2 =	sadd.s32 s3, s2  }
0x8d: {  	s2 =	sadd.s32 s2, s17  }
0x8e: {  	[smem:$0x3FC7] =	sst s2  }
0x8f: {  	_ = 	snop  }
0x90: {  	s2 =	sld [smem:$0x3FD0];
	(tm) =	ssettm $0x1  }
0x91: {  	s18 =	sld [smem:$0x3FFB];
	_ =	sdelay $0x3  }
0x92: {  	_ =	strace s18  }
0x93: {  	s3 =	sld [smem:$0x3FFC];
	_ =	sdelay $0x3  }
0x94: {  	_ =	strace s3  }
0x95: {  	s3 =	sld [smem:$0x3FFD];
	_ =	sdelay $0x3  }
0x96: {  	_ =	strace s3  }
0x97: {  	_ =	strace $0x8FFFFFFF  }
0x98: {  	s19 =	sld [smem:$0x3FDB];
	_ =	sdelay $0x1  }
0x99: {  	s4 =	simm.s32 $_scs_section_size  }
0x9a: {  	s5 =	simm.s32 $_size__tile_overlayer_lowered;
	s6 =	simm.s32 $_tile_overlayer_lowered  }
0x9b: {  	s22 =	simm.s32 $0x1BFF;
	s21 =	sshll.u32 s6, $0x1;
	s3 =	sadd.s32 s4, s19  }
0x9c: {  	s7 =	simm.s32 $0x0;
	s20 =	sshll.u32 s5, $0x1;
	s5 =	sadd.s32 s21, s3  }
0x9d: {  	[timem:s7], [sflag:s22] =	dma.local [hbm:s5], s20  }
0x9e: {  	_ =	swait.ge [sflag:s22], s20  }
0x9f: {  	s4 =	ssub.s32 $0x0, s20;
	[sflag:s22] =	ssyncset.done $0x0  }
0xa0: {  	[sflag:s22] =	ssyncadd.s32 s4;
	_ =	sdelay $0x1  }
0xa1: {  	s23 =	simm.s32 $0x1B8B  }
0xa2: {  	_ =	swait.ge [sflag:s23], $0x1  }
0xa3: {  	[sflag:s23] =	ssyncset.done $0x0  }
0xa4: {  	s25 =	simm.s32 $0x1B8E;
	s24 =	sld [smem:$0x3FFE];
	[sflag:s23] =	ssyncadd.s32 $0xFFFFFFFF  }
0xa5: {  	s26 =	simm.s32 $execute0_lowered;
	[smem:$0x3FD2] =	sst s25  }
0xa6: {  	s5 =	sshll.u32 s26, $0x1;
	_ =	strace $0x80000046;
	[dreg:$0x1] =	wrdreg $0xFFFFFFFF  }
0xa7: {  	s28 =	simm.s32 $_size_execute0_lowered;
	s3 =	sadd.s32 s3, s5;
	[dreg:$0x0] =	wrdreg $0x0  }
0xa8: {  	s5 =	sshll.u32 s28, $0x1;
	[dreg:$0x2] =	wrdreg s3  }
0xa9: {  	[dreg:$0x3] =	wrdreg s5  }
0xaa: {  	[dreg:$0x4] =	wrdreg $0xC0  }
0xab: {  	_ =	task [dreg:s7], $0x5FFFF  }
0xac: {  	[dreg:$0x1] =	wrdreg $0xFFFFFFFF  }
0xad: {  	[dreg:$0x0] =	wrdreg $0x60  }
0xae: {  	[dreg:$0x2] =	wrdreg s2  }
0xaf: {  	[dreg:$0x3] =	wrdreg s24  }
0xb0: {  	[dreg:$0x4] =	wrdreg $0x9  }
0xb1: {  	_ =	task.clear_ibuf [dreg:s7], $0x5FFFF;
	_ =	strace $0x90000046  }
0xb2: {  	s29 =	simm.s32 $0x9;
	_ =	strace $0x80000048  }
0xb3: {  	_ =	swait.ge [sflag:s29], $0x1  }
0xb4: {  	[sflag:s29] =	ssyncadd.s32 $0xFFFFFFFF  }
0xb5: {  	_ =	strace $0x90000048  }
0xb6: {  	_ =	sfence  }
0xb7: {  	s30 =	sld [smem:$0x0];
	_ =	sdelay $0x2  }
0xb8: {  	s31 =	sshll.u32 s1, $0xD;
	s1 =	sshrl.u32 s1, $0x2  }
0xb9: {  	s3 =	sand.u32 $0x4000, s31;
	s1 =	sadd.s32 s1, s30  }
0xba: {  	s0 =	sor.u32 s3, s0;
	s1 =	sshll.u32 s1, $0x11  }
0xbb: {  	s0 =	sor.u32 s1, s0  }
0xbc: {  	s0 =	sadd.s32 $0x8F2B, s0  }
0xbd: {  	[sflag:s0] =	ssyncadd.remote.s32 $0x1  }
0xbe: {  	_ =	sfence.sel $0xFFFF  }
0xbf: {  	[dreg:$0x0] =	wrdreg $0xFFFFFFFF;
	(pc) =	sbr.abs _section_cstart, $3  }
0xc0: {  	[dreg:$0x1] =	wrdreg $0xFFFFFFFF  }
0xc1: {  	_ =	task.clear_ibuf [dreg:s7], $0x2FFFF;
	_ =	strace $0x9FFFFFFF  }
0xc2: {  	(tm) =	ssettm $0x7FFFFFFF  }
0xc3: {  	_ =	shalt  }
tec
execute0_lowered:
.L_overlay_start_1:
0x0: {  	(tag) =	ssettag $0x1  }
0x1: {  	v0 =	vimm.s32 $0x0  }
0x2: {  	vm0 =	vcmask $0x300;
	v1 =	vimm.s32 $0x2380;
	v2 =	vimm.s32 $0x6080  }
0x3: {  	vm1 =	vcmask $0x704;
	v1 =	vsel vm0, $0x0, v1;
	v2 =	vsel vm0, $0x2100, v2  }
0x4: {  	vm15 =	vcmask $0xB08;
	v1 =	vsel vm1, $0x80, v1;
	v2 =	vsel vm1, $0x2180, v2  }
0x5: {  	s4 =	rddreg [dreg:$0x0];
	vm4 =	vcmask $0xF0C;
	v1 =	vsel vm15, $0x100, v1;
	v2 =	vsel vm15, $0x2200, v2  }
0x6: {  	s3 =	rddreg [dreg:$0x1];
	vm5 =	vcmask $0x1310;
	v1 =	vsel vm4, $0x180, v1;
	v2 =	vsel vm4, $0x2280, v2  }
0x7: {  	s0 =	rddreg [dreg:$0x2];
	vm6 =	vcmask $0x1714;
	v1 =	vsel vm5, $0x200, v1;
	v2 =	vsel vm5, $0x2300, v2  }
0x8: {  	s2 =	simm.s32 $0x0;
	s5 =	srdreg.scid;
	s1 =	stileid.u32;
	vm7 =	vcmask $0x1B18;
	v1 =	vsel vm6, $0x280, v1;
	v2 =	vsel vm6, $0x2380, v2  }
0x9: {  	vm8 =	vcmask $0x1F1C;
	s11 =	simm.s32 $0x8D00;
	s12 =	simm.s32 $0x1;
	s13 =	simm.s32 $0x2;
	v1 =	vsel vm7, $0x300, v1;
	v2 =	vsel vm7, $0x4000, v2  }
0xa: {  	vm9 =	vcmask $0x2320;
	s14 =	simm.s32 $0x0;
	[smem:$0x7FF] =	sst s2;
	s5 =	sand.u32 $0x1, s5;
	v1 =	vsel vm8, $0x380, v1;
	v2 =	vsel vm8, $0x4080, v2  }
0xb: {  	vm10 =	vcmask $0x2724;
	s6 =	sshll.u32 s1, $0x1;
	s8 =	sadd.s32 $0x400, s3;
	s10 =	sshll.u32 s1, $0x14;
	v1 =	vsel vm9, $0x2000, v1;
	v2 =	vsel vm9, $0x4100, v2  }
0xc: {  	vm11 =	vcmask $0x2B28;
	_ =	strace $0x80000047;
	s7 =	ssub.s32 $0x2, s5;
	s6 =	sor.u32 s5, s6;
	v1 =	vsel vm10, $0x2080, v1;
	v2 =	vsel vm10, $0x4180, v2  }
0xd: {  	vm12 =	vcmask $0x2F2C;
	s5 =	sshll.u32 s5, $0x13;
	s30 =	sshrl.u32 s7, $0x1;
	s9 =	smul.u32 $0x1A0, s6;
	v1 =	vsel vm11, $0x2100, v1;
	v2 =	vsel vm11, $0x4200, v2  }
0xe: {  	vm13 =	vcmask $0x3330;
	s6 =	sshll.u32 s6, $0x13;
	s31 =	sor.u32 s5, s10;
	s10 =	simm.s32 $0xD00;
	v1 =	vsel vm12, $0x2180, v1;
	v2 =	vsel vm12, $0x4280, v2  }
0xf: {  	vm14 =	vcmask $0x3734;
	s7 =	ssub.s32 s7, s30;
	s3 =	sadd.s32 s8, s6;
	s8 =	sadd.s32 s31, s8;
	v1 =	vsel vm13, $0x2200, v1;
	v2 =	vsel vm13, $0x4300, v2  }
0x10: {  	vm15 =	vcmask $0x3B38;
	s4 =	sadd.s32 s4, s9;
	s5 =	sadd.s32 $0x1000, s3;
	s6 =	smax.u32 s7, $0x1;
	v1 =	vsel vm14, $0x2280, v1;
	v2 =	vsel vm14, $0x4380, v2  }
0x11: {  	v3 =	vimm.s32 $0x1;
	s7 =	sadd.s32 $0x2000, s8;
	s8 =	sadd.s32 $0x3000, s8;
	s9 =	simm.s32 $0x3;
	v1 =	vsel vm15, $0x2300, v1;
	v2 =	vsel vm15, $0x6000, v2  }
.LBB2_1:
0x12: {  	[tilespmem:s2], [sflag:$0x3] =	stream.linear.gather [hbm4b:s4+s2], $0xD00, $0x38;
	[tilespmem:$0x10D80] =	vst v63  }
0x13: {  	_ =	swait.ge [sflag:s9], $0xD00  }
0x14: {  	[sflag:s9] =	ssyncset.done $0x0  }
0x15: {  	s15 =	simm.s32 $0x0;
	[sflag:s9] =	ssyncadd.s32 $0xFFFFF300  }
.LBB2_2:
0x16: {  	s16 =	sshll.u32 s15, $0xA;
	s17 =	sshll.u32 s15, $0x7  }
0x17: {  	s18 =	simm.s32 $0x0;
	s19 =	sand.u32 $0x6000, s16;
	s20 =	sand.u32 $0x380, s17  }
0x18: {  	s31 =	sand.u32 $0x1C00, s18;
	s19 =	sor.u32 s19, s20  }
0x19: {  	s21 =	sand.u32 $0x70, s18;
	s22 =	sor.u32 s31, s19  }
0x1a: {  	s20 =	simm.s32 $0x10;
	s21 =	sor.u32 s21, s22  }
.LBB2_3:
0x1b: {  	p0 =	sne.s32 s20, $0x3D0  }
0x1c: {  	[tilespmem:s21+$0xD00] =	vst v0;
	s18 =	sadd.s32 $0x80, s18;
	s22 =	smov.u32 s20;
	s20 =	sadd.s32 $0x10, s20  }
.Ltmp0:
0x1d: {  	[tilespmem:s21+$0x8D00] =	vst v0;
	(pc) =	sbr.rel @p0 .LBB2_3-.Ltmp0, $4  }
0x1e: {  	_ = 	snop  }
0x1f: {  	s21 =	sand.u32 $0x1C00, s18  }
0x20: {  	s22 =	sand.u32 $0x70, s22;
	s21 =	sor.u32 s21, s19  }
0x21: {  	s21 =	sor.u32 s22, s21  }
0x22: {  	s15 =	sadd.s32 $0x1, s15  }
0x23: {  	p0 =	sne.s32 s15, $0x1A  }
.Ltmp1:
0x24: {  	_ = 	snop;
	(pc) =	sbr.rel @p0 .LBB2_2-.Ltmp1, $4  }
0x25: {  	[tilespmem:s21+$0xD00] =	vst v0;
	s16 =	sor.u32 s16, s17  }
0x26: {  	[tilespmem:s21+$0x8D00] =	vst v0;
	s16 =	sor.u32 $0x1C58, s16  }
0x27: {  	[tilespmem:s16+$0xD00] =	vst v0  }
0x28: {  	[tilespmem:s16+$0x8D00] =	vst v0  }
0x29: {  	[tilespmem:$0x10D00] =	vst v0  }
0x2a: {  	[tilespmem:$0x10D10] =	vst v0  }
0x2b: {  	[tilespmem:$0x10D20] =	vst v0  }
0x2c: {  	[tilespmem:$0x10D30] =	vst v0  }
0x2d: {  	[tilespmem:v1+s10+$0x0] =	vst.idx.msk $0xffff, v0  }
0x2e: {  	v4 =	vld [tilespmem:$0x10D10];
	_ =	sdelay $0x4  }
0x2f: {  	v5 =	vshll.u32 v4, $0x3  }
0x30: {  	v4 =	vand.u32 $0x7F, v4;
	v5 =	vand.u32 $0xFFFFFC00, v5  }
0x31: {  	v4 =	vor.u32 v4, v5  }
0x32: {  	v4 =	vadd.s32 v2, v4;
	_ =	sdelay $0x4  }
0x33: {  	[tilespmem:v4+s10+$0x0] =	vst.idx.msk $0xffff, v0  }
0x34: {  	v4 =	vld [tilespmem:$0x0];
	_ =	sdelay $0x4  }
0x35: {  	v5 =	vshll.u32 v4, $0x3  }
0x36: {  	v6 =	vand.u32 $0x7F, v4;
	v5 =	vand.u32 $0xFFFFFC00, v5  }
0x37: {  	v5 =	vor.u32 v6, v5  }
0x38: {  	v5 =	vadd.s32 v1, v5;
	_ =	sdelay $0x4  }
0x39: {  	[tilespmem:v5+s10+$0x0] =	vst.idx.msk $0xffff, v3  }
0x3a: {  	v5 =	vld [tilespmem:$0xA];
	_ =	sdelay $0x4  }
0x3b: {  	v60 =	vshll.u32 v5, $0x3  }
0x3c: {  	v7 =	vand.u32 $0x7F, v5;
	v6 =	vand.u32 $0xFFFFFC00, v60  }
0x3d: {  	v6 =	vor.u32 v7, v6  }
0x3e: {  	v6 =	vadd.s32 v2, v6;
	_ =	sdelay $0x3  }
0x3f: {  	[tilespmem:$0x10D00] =	vst v4  }
0x40: {  	[tilespmem:v6+s10+$0x0] =	vst.idx.msk $0xffff, v3  }
0x41: {  	s15 =	simm.s32 $0x0;
	[tilespmem:$0x10D10] =	vst v5  }
0x42: {  	[hbm4b:s3+s15] =	stream.linear.scatter [tilespmem:s10], [sflag:$0x1], $0x8000, $0x38;
	[tilespmem:$0x10D80] =	vst v63  }
0x43: {  	v4 =	vld [tilespmem:$0x10D20];
	_ =	sdelay $0x4  }
0x44: {  	v5 =	vshll.u32 v4, $0x3  }
0x45: {  	v4 =	vand.u32 $0x7F, v4;
	v5 =	vand.u32 $0xFFFFFC00, v5  }
0x46: {  	v4 =	vor.u32 v4, v5  }
0x47: {  	v4 =	vadd.s32 v1, v4;
	_ =	sdelay $0x4  }
0x48: {  	[tilespmem:v4+s11+$0x0] =	vst.idx.msk $0xffff, v0  }
0x49: {  	v4 =	vld [tilespmem:$0x10D30];
	_ =	sdelay $0x4  }
0x4a: {  	v5 =	vshll.u32 v4, $0x3  }
0x4b: {  	v4 =	vand.u32 $0x7F, v4;
	v5 =	vand.u32 $0xFFFFFC00, v5  }
0x4c: {  	v4 =	vor.u32 v4, v5  }
0x4d: {  	v4 =	vadd.s32 v2, v4;
	_ =	sdelay $0x4  }
0x4e: {  	[tilespmem:v4+s11+$0x0] =	vst.idx.msk $0xffff, v0  }
0x4f: {  	v4 =	vld [tilespmem:$0x1A];
	_ =	sdelay $0x4  }
0x50: {  	v5 =	vshll.u32 v4, $0x3  }
0x51: {  	v61 =	vand.u32 $0x7F, v4;
	v5 =	vand.u32 $0xFFFFFC00, v5  }
0x52: {  	v5 =	vor.u32 v61, v5  }
0x53: {  	v5 =	vadd.s32 v1, v5;
	_ =	sdelay $0x4  }
0x54: {  	[tilespmem:v5+s11+$0x0] =	vst.idx.msk $0xffff, v3  }
0x55: {  	v5 =	vld [tilespmem:$0x24];
	_ =	sdelay $0x4  }
0x56: {  	v62 =	vshll.u32 v5, $0x3  }
0x57: {  	v63 =	vand.u32 $0x7F, v5;
	v6 =	vand.u32 $0xFFFFFC00, v62  }
0x58: {  	v6 =	vor.u32 v63, v6  }
0x59: {  	v6 =	vadd.s32 v2, v6;
	_ =	sdelay $0x3  }
0x5a: {  	[tilespmem:$0x10D20] =	vst v4  }
0x5b: {  	[tilespmem:v6+s11+$0x0] =	vst.idx.msk $0xffff, v3  }
0x5c: {  	s16 =	simm.s32 $0x58;
	[tilespmem:$0x10D30] =	vst v5  }
0x5d: {  	[hbm4b:s5+s15] =	stream.linear.scatter [tilespmem:s11], [sflag:$0x2], $0x8000, $0x38;
	[tilespmem:$0x10D80] =	vst v63  }
.LBB2_6:
0x5e: {  	_ =	swait.ge [sflag:s12], $0x8000  }
0x5f: {  	[sflag:s12] =	ssyncset.done $0x0  }
0x60: {  	[sflag:s12] =	ssyncadd.s32 $0xFFFF8000  }
0x61: {  	v4 =	vld [tilespmem:$0x10D00];
	_ =	sdelay $0x4  }
0x62: {  	v5 =	vshll.u32 v4, $0x3  }
0x63: {  	v4 =	vand.u32 $0x7F, v4;
	v5 =	vand.u32 $0xFFFFFC00, v5  }
0x64: {  	v4 =	vor.u32 v4, v5  }
0x65: {  	v4 =	vadd.s32 v1, v4;
	_ =	sdelay $0x4  }
0x66: {  	[tilespmem:v4+s10+$0x0] =	vst.idx.msk $0xffff, v0  }
0x67: {  	v4 =	vld [tilespmem:$0x10D10];
	_ =	sdelay $0x4  }
0x68: {  	v5 =	vshll.u32 v4, $0x3  }
0x69: {  	v4 =	vand.u32 $0x7F, v4;
	v5 =	vand.u32 $0xFFFFFC00, v5  }
0x6a: {  	v4 =	vor.u32 v4, v5  }
0x6b: {  	v4 =	vadd.s32 v2, v4;
	_ =	sdelay $0x4  }
0x6c: {  	[tilespmem:v4+s10+$0x0] =	vst.idx.msk $0xffff, v0  }
0x6d: {  	v4 =	vld [tilespmem:s16+$0xFFFFFFDC];
	_ =	sdelay $0x4  }
0x6e: {  	v5 =	vshll.u32 v4, $0x3  }
0x6f: {  	v6 =	vand.u32 $0x7F, v4;
	v5 =	vand.u32 $0xFFFFFC00, v5  }
0x70: {  	v5 =	vor.u32 v6, v5  }
0x71: {  	v5 =	vadd.s32 v1, v5;
	_ =	sdelay $0x4  }
0x72: {  	[tilespmem:v5+s10+$0x0] =	vst.idx.msk $0xffff, v3  }
0x73: {  	[tilespmem:$0x10D00] =	vst v4  }
0x74: {  	v4 =	vld [tilespmem:s16+$0xFFFFFFE6];
	_ =	sdelay $0x4  }
0x75: {  	v5 =	vshll.u32 v4, $0x3  }
0x76: {  	v61 =	vand.u32 $0x7F, v4;
	v5 =	vand.u32 $0xFFFFFC00, v5  }
0x77: {  	v5 =	vor.u32 v61, v5  }
0x78: {  	v5 =	vadd.s32 v2, v5;
	_ =	sdelay $0x4  }
0x79: {  	[tilespmem:v5+s10+$0x0] =	vst.idx.msk $0xffff, v3  }
0x7a: {  	s17 =	sadd.s32 s15, s7;
	[tilespmem:$0x10D10] =	vst v4  }
0x7b: {  	[hbm4b:s17+s2] =	stream.linear.scatter [tilespmem:s10], [sflag:$0x1], $0x8000, $0x38;
	[tilespmem:$0x10D80] =	vst v63  }
0x7c: {  	_ =	swait.ge [sflag:s13], $0x8000  }
0x7d: {  	[sflag:s13] =	ssyncset.done $0x0  }
0x7e: {  	[sflag:s13] =	ssyncadd.s32 $0xFFFF8000  }
0x7f: {  	v4 =	vld [tilespmem:$0x10D20];
	_ =	sdelay $0x4  }
0x80: {  	v5 =	vshll.u32 v4, $0x3  }
0x81: {  	v4 =	vand.u32 $0x7F, v4;
	v5 =	vand.u32 $0xFFFFFC00, v5  }
0x82: {  	v4 =	vor.u32 v4, v5  }
0x83: {  	v4 =	vadd.s32 v1, v4;
	_ =	sdelay $0x4  }
0x84: {  	[tilespmem:v4+s11+$0x0] =	vst.idx.msk $0xffff, v0  }
0x85: {  	v4 =	vld [tilespmem:$0x10D30];
	_ =	sdelay $0x4  }
0x86: {  	v5 =	vshll.u32 v4, $0x3  }
0x87: {  	v4 =	vand.u32 $0x7F, v4;
	v5 =	vand.u32 $0xFFFFFC00, v5  }
0x88: {  	v4 =	vor.u32 v4, v5  }
0x89: {  	v4 =	vadd.s32 v2, v4;
	_ =	sdelay $0x4  }
0x8a: {  	[tilespmem:v4+s11+$0x0] =	vst.idx.msk $0xffff, v0  }
0x8b: {  	v4 =	vld [tilespmem:s16+$0xFFFFFFF6];
	_ =	sdelay $0x4  }
0x8c: {  	v5 =	vshll.u32 v4, $0x3  }
0x8d: {  	v62 =	vand.u32 $0x7F, v4;
	v5 =	vand.u32 $0xFFFFFC00, v5  }
0x8e: {  	v5 =	vor.u32 v62, v5  }
0x8f: {  	v5 =	vadd.s32 v1, v5;
	_ =	sdelay $0x4  }
0x90: {  	[tilespmem:v5+s11+$0x0] =	vst.idx.msk $0xffff, v3  }
0x91: {  	[tilespmem:$0x10D20] =	vst v4  }
0x92: {  	v4 =	vld [tilespmem:s16+$0x0];
	_ =	sdelay $0x4  }
0x93: {  	v5 =	vshll.u32 v4, $0x3  }
0x94: {  	v63 =	vand.u32 $0x7F, v4;
	v5 =	vand.u32 $0xFFFFFC00, v5  }
0x95: {  	v5 =	vor.u32 v63, v5  }
0x96: {  	v5 =	vadd.s32 v2, v5;
	_ =	sdelay $0x1  }
0x97: {  	p0 =	sne.s32 s15, $0x7C000  }
.Ltmp2:
0x98: {  	_ = 	snop;
	(pc) =	sbr.rel @p0 .LBB2_6-.Ltmp2, $4  }
0x99: {  	_ = 	snop  }
0x9a: {  	[tilespmem:v5+s11+$0x0] =	vst.idx.msk $0xffff, v3  }
0x9b: {  	s31 =	sadd.s32 s15, s8;
	s15 =	sadd.s32 $0x2000, s15;
	s16 =	sadd.s32 $0x34, s16;
	[tilespmem:$0x10D30] =	vst v4  }
0x9c: {  	[hbm4b:s31+s2] =	stream.linear.scatter [tilespmem:s11], [sflag:$0x2], $0x8000, $0x38;
	[tilespmem:$0x10D80] =	vst v63  }
0x9d: {  	s14 =	sadd.s32 $0x1, s14  }
0x9e: {  	_ =	swait.ge [sflag:s12], $0x8000;
	p0 =	sne.s32 s14, s6  }
.Ltmp3:
0x9f: {  	[sflag:s12] =	ssyncset.done $0x0;
	(pc) =	sbr.rel @p0 .LBB2_1-.Ltmp3, $4  }
0xa0: {  	[sflag:s12] =	ssyncadd.s32 $0xFFFF8000  }
0xa1: {  	_ =	swait.ge [sflag:s13], $0x8000  }
0xa2: {  	[sflag:s13] =	ssyncset.done $0x0  }
0xa3: {  	[sflag:s13] =	ssyncadd.s32 $0xFFFF8000  }
0xa4: {  	_ =	sfence.sel $0x180000  }
0xa5: {  	[bflag:$0x0] =	sbarrier.arrive $0xFFFF  }
0xa6: {  	p0 =	sne.s32 s1, $0x0;
	_ =	strace $0x90000047  }
0xa7: {  	s0 =	sadd.s32 @!p0 $0x100000, s0;
	[bflag:$0x2] =	sbarrier.arrive $0xFFFF  }
0xa8: {  	[sflag:s0] =	ssyncadd.tile.s32 @!p0 $0x1;
	_ =	shalt  }
.Lfunc_end2:
_tile_overlayer_lowered:
.L_overlay_start_2:
0xa9: {  	(tag) =	ssettag $0x2  }
0xaa: {  	s0 =	rddreg [dreg:$0x0];
	s2 =	stileid.u32  }
0xab: {  	s1 =	rddreg [dreg:$0x1];
	p0 =	sne.s32 s2, $0x0  }
0xac: {  	s3 =	rddreg [dreg:$0x2];
	[bflag:$0x3] =	sbarrier.arrive $0xFFFF;
	s2 =	simm.s32 @!p0 $0x1C03  }
0xad: {  	[timem:s3], [sflag:s2] =	dma.local @!p0 [hbm:s0], s1  }
0xae: {  	s0 =	simm.s32 @!p0 $0x3  }
0xaf: {  	_ =	swait.ge @!p0 [sflag:s0], s1  }
0xb0: {  	s1 =	ssub.s32 @!p0 $0x0, s1;
	[sflag:s0] =	ssyncset.done @!p0 $0x0  }
0xb1: {  	[sflag:s0] =	ssyncadd.s32 @!p0 s1  }
0xb2: {  	[bflag:$0x3] =	sbarrier.arrive $0xFFFF  }
0xb3: {  	_ =	shalt  }

</sc_bundles>
